<compile_context>
chip_gen: v7x
topology: tpu7x:2x2x1
jax: 0.10.2.dev20260603
libtpu: 0.0.44.dev20260713+nightly
codegen_flags: <defaults>
</compile_context>

<pallas_src>
import functools

import jax
import jax.numpy as jnp
from jax import lax
from jax.experimental import pallas as pl
from jax.experimental.pallas import tpu as pltpu
from jax.experimental.pallas import tpu_sc as plsc

_H = 1024
_C = 256
_THRESH2 = 0.01
_BT = 1024



def _prep_body(cb_ref, cbm_ref, cbt_ref):
    cb = cb_ref[...]
    c2 = jnp.sum(cb * cb, axis=1)
    mask = c2 > _THRESH2
    cbm_ref[...] = jnp.where(mask[:, None], cb, 0.0)
    cbt_ref[...] = cb.T.astype(jnp.bfloat16)


def _prep(codebook):
    return pl.pallas_call(
        _prep_body,
        out_shape=(
            jax.ShapeDtypeStruct((_C, _H), jnp.float32),
            jax.ShapeDtypeStruct((_H, _C), jnp.bfloat16),
        ),
    )(codebook)



def _nearest(c2_ref, cbt_ref, x_ref, x2_ref):
    x = x_ref[...]
    s = lax.dot_general(x, cbt_ref[...], (((1,), (0,)), ((), ())),
                        preferred_element_type=jnp.float32)
    d2 = x2_ref[...] + c2_ref[...] - 2.0 * s
    dist = jnp.sqrt(jnp.maximum(d2, 0.0))
    m = jnp.min(dist, axis=1, keepdims=True)
    iota = lax.broadcasted_iota(jnp.int32, dist.shape, 1)
    idx = jnp.min(jnp.where(dist <= m, iota, _C), axis=1)
    return iota, idx


def _argmin_body(c2_ref, cbt_ref, x_ref, x2_ref, idx_ref):
    _, idx = _nearest(c2_ref, cbt_ref, x_ref, x2_ref)
    idx_ref[0, 0, :] = idx


def _argmin(c2, cbt, x2d, x2col):
    n = x2d.shape[0]
    nb = n // _BT
    out = pl.pallas_call(
        _argmin_body,
        grid=(nb,),
        in_specs=[
            pl.BlockSpec((1, _C), lambda i: (0, 0)),
            pl.BlockSpec((_H, _C), lambda i: (0, 0)),
            pl.BlockSpec((_BT, _H), lambda i: (i, 0)),
            pl.BlockSpec((_BT, 1), lambda i: (i, 0)),
        ],
        out_specs=pl.BlockSpec((1, 1, _BT), lambda i: (i, 0, 0)),
        out_shape=jax.ShapeDtypeStruct((nb, 1, _BT), jnp.int32),
    )(c2, cbt, x2d, x2col)
    return out.reshape(n)



def _fused_body(c2_ref, cbt_ref, cbm_ref, x_ref, x2_ref, out_ref):
    iota, idx = _nearest(c2_ref, cbt_ref, x_ref, x2_ref)
    onehot = (iota == idx[:, None]).astype(jnp.float32)
    out_ref[...] = lax.dot_general(
        onehot, cbm_ref[...], (((1,), (0,)), ((), ())),
        preferred_element_type=jnp.float32)


def _fused(c2, cbt, cbm, x2d, x2col):
    n = x2d.shape[0]
    nb = n // _BT
    return pl.pallas_call(
        _fused_body,
        grid=(nb,),
        in_specs=[
            pl.BlockSpec((1, _C), lambda i: (0, 0)),
            pl.BlockSpec((_H, _C), lambda i: (0, 0)),
            pl.BlockSpec((_C, _H), lambda i: (0, 0)),
            pl.BlockSpec((_BT, _H), lambda i: (i, 0)),
            pl.BlockSpec((_BT, 1), lambda i: (i, 0)),
        ],
        out_specs=pl.BlockSpec((_BT, _H), lambda i: (i, 0)),
        out_shape=jax.ShapeDtypeStruct((n, _H), jnp.float32),
    )(c2, cbt, cbm, x2d, x2col)



try:
    _INFO = plsc.get_sparse_core_info()
    _NC, _NS = _INFO.num_cores, _INFO.num_subcores
except Exception:
    _NC, _NS = 2, 16
_NW = _NC * _NS
_CH = 32
_NBUF = 3


@functools.lru_cache(maxsize=None)
def _make_gather(n_rows):
    b_per_w = n_rows // _NW
    total = b_per_w // _CH
    mesh = plsc.VectorSubcoreMesh(core_axis_name="c", subcore_axis_name="s")

    @functools.partial(
        pl.kernel,
        mesh=mesh,
        out_type=jax.ShapeDtypeStruct((n_rows, _H), jnp.float32),
        scratch_types=[pltpu.VMEM((b_per_w,), jnp.int32)]
        + [pltpu.VMEM((_CH, _H), jnp.float32) for _ in range(_NBUF)]
        + [pltpu.SemaphoreType.DMA for _ in range(2 * _NBUF)],
    )
    def gather_k(table_hbm, idx_hbm, out_hbm, idx_v, *rest):
        bufs = rest[:_NBUF]
        isems = rest[_NBUF:2 * _NBUF]
        osems = rest[2 * _NBUF:]
        wid = lax.axis_index("s") * _NC + lax.axis_index("c")
        base = wid * b_per_w
        pltpu.sync_copy(idx_hbm.at[pl.ds(base, b_per_w)], idx_v)

        def chunk(j):
            idxs = idx_v.at[pl.ds(j * _CH, _CH)]
            dst = out_hbm.at[pl.ds(base + j * _CH, _CH)]
            return idxs, dst

        in_d = [None] * _NBUF
        out_d = [None] * _NBUF
        idxs0, _ = chunk(0)
        in_d[0] = pltpu.async_copy(table_hbm.at[idxs0], bufs[0], isems[0])
        for j in range(total):
            b = j % _NBUF
            if j + 1 < total:
                nb = (j + 1) % _NBUF
                if j + 1 >= _NBUF:
                    out_d[nb].wait()
                idxs, _ = chunk(j + 1)
                in_d[nb] = pltpu.async_copy(
                    table_hbm.at[idxs], bufs[nb], isems[nb])
            in_d[b].wait()
            _, dst = chunk(j)
            out_d[b] = pltpu.async_copy(bufs[b], dst, osems[b])
        for b in range(min(_NBUF, total)):
            out_d[b].wait()

    return gather_k



def kernel(keys, values, codebook):
    b, s, h = keys.shape
    kd = keys.reshape(-1, h)
    vd = values.reshape(-1, h)
    cbm, cbt = _prep(codebook)
    c2x = jnp.sum(codebook * codebook, axis=1)[None, :]
    k2 = jnp.sum(kd * kd, axis=1, keepdims=True)
    v2 = jnp.sum(vd * vd, axis=1, keepdims=True)
    idx_v = _argmin(c2x, cbt, vd.astype(jnp.bfloat16), v2)
    out_v = _make_gather(b * s)(cbm, idx_v)
    out_k = _fused(c2x, cbt, cbm, kd.astype(jnp.bfloat16), k2)
    return out_k.reshape(b, s, h), out_v.reshape(b, s, h)

# --- scband reference (transcript-rebuilt; emitter-appended) ---
"""Pipeline reference for scband-pi-kvcompressor-4209067950093 (READ-ONLY COPY).

The authoritative reference and input builder live on the scoring server;
editing this copy changes nothing except your own understanding.
"""

import jax, jax.numpy as jnp
import numpy as np

NUM_CENTROIDS = 256
SPARSITY_THRESHOLD = 0.1


def setup_inputs(seed: int = 0) -> dict:
    key = jax.random.key(seed)
    k1, k2, k3 = jax.random.split(key, 3)
    keys = jax.random.normal(k1, (2, 2048, 1024), dtype=jnp.float32)
    values = jax.random.normal(k2, (2, 2048, 1024), dtype=jnp.float32)
    codebook = jax.random.normal(k3, (NUM_CENTROIDS, 1024), dtype=jnp.float32)
    return {"keys": keys, "values": values, "codebook": codebook}


def _cdist(x, y):
    # euclidean distance matrix, matmul-based (matches torch.cdist p=2)
    x2 = jnp.sum(x * x, axis=1, keepdims=True)
    y2 = jnp.sum(y * y, axis=1)[None, :]
    d2 = x2 + y2 - 2.0 * (x @ y.T)
    return jnp.sqrt(jnp.maximum(d2, 0.0))


def reference(keys, values, codebook):
    B, S, H = keys.shape
    keys_2d = keys.reshape(-1, H)
    values_2d = values.reshape(-1, H)
    key_indices = jnp.argmin(_cdist(keys_2d, codebook), axis=1)
    value_indices = jnp.argmin(_cdist(values_2d, codebook), axis=1)
    keys_compressed = jnp.take(codebook, key_indices, axis=0).reshape(B, S, H)
    values_compressed = jnp.take(codebook, value_indices, axis=0).reshape(B, S, H)
    key_magnitudes = jnp.linalg.norm(keys_compressed, axis=-1)
    value_magnitudes = jnp.linalg.norm(values_compressed, axis=-1)
    key_mask = key_magnitudes > SPARSITY_THRESHOLD
    value_mask = value_magnitudes > SPARSITY_THRESHOLD
    keys_compressed = keys_compressed * key_mask[..., None]
    values_compressed = values_compressed * value_mask[..., None]
    return keys_compressed, values_compressed

if __name__ == "__main__":
    import jax
    _d = setup_inputs()
    print(jax.jit(kernel)(*tuple(_d.values())))

</pallas_src>

<mosaic_0001>
#map = affine_map<(d0, d1) -> (0, 0)>
#map1 = affine_map<(d0, d1) -> (0)>
module attributes {stable_mosaic.version = 14 : i64} {
  func.func @gather_k(%arg0: i32, %arg1: i32, %arg2: memref<256x1024xf32, #tpu.memory_space<hbm>>, %arg3: memref<4096xi32, #tpu.memory_space<hbm>>, %arg4: memref<4096x1024xf32, #tpu.memory_space<hbm>>, %arg5: memref<128xi32, #tpu.memory_space<vmem>>, %arg6: memref<32x1024xf32, #tpu.memory_space<vmem>>, %arg7: memref<32x1024xf32, #tpu.memory_space<vmem>>, %arg8: memref<32x1024xf32, #tpu.memory_space<vmem>>, %arg9: memref<!tpu.dma_semaphore, #tpu.memory_space<semaphore_mem>>, %arg10: memref<!tpu.dma_semaphore, #tpu.memory_space<semaphore_mem>>, %arg11: memref<!tpu.dma_semaphore, #tpu.memory_space<semaphore_mem>>, %arg12: memref<!tpu.dma_semaphore, #tpu.memory_space<semaphore_mem>>, %arg13: memref<!tpu.dma_semaphore, #tpu.memory_space<semaphore_mem>>, %arg14: memref<!tpu.dma_semaphore, #tpu.memory_space<semaphore_mem>>) attributes {dimension_semantics = [#tpu.dimension_semantics<core_parallel>, #tpu.dimension_semantics<subcore_parallel>], iteration_bounds = array<i64: 2, 16>, scalar_prefetch = 0 : i64, scratch_operands = 10 : i64, tpu.core_type = #tpu.core_type<sc_vector_subcore>, window_params = [{transform_indices = #map}, {transform_indices = #map1}, {transform_indices = #map}]} {
    %mul3A = arith.constant 2 : i32
    %mul3A_0 = arith.muli %arg1, %mul3A : i32
    %add3A = arith.addi %mul3A_0, %arg0 : i32
    %mul3A_1 = arith.constant 128 : i32
    %mul3A_2 = arith.muli %add3A, %mul3A_1 : i32
    "tpu.region"() ({
      %run_scoped3A = tpu.sem_alloc : memref<!tpu.dma_semaphore, #tpu.memory_space<semaphore_mem>>
      %dma_start3A_89 = tpu.memref_slice %arg3[%mul3A_2] : memref<4096xi32, #tpu.memory_space<hbm>> -> memref<128xi32, #tpu.memory_space<hbm>>
      %dma_start3A_90 = tpu.memref_slice %arg3[%mul3A_2] : memref<4096xi32, #tpu.memory_space<hbm>> -> memref<128xi32, #tpu.memory_space<hbm>>
      tpu.enqueue_dma source(%dma_start3A_90 : memref<128xi32, #tpu.memory_space<hbm>>) target(%arg5 : memref<128xi32, #tpu.memory_space<vmem>>) target_semaphore(%run_scoped3A : memref<!tpu.dma_semaphore, #tpu.memory_space<semaphore_mem>>)
      %dma_wait3A_91 = tpu.memref_slice %arg3[%mul3A_2] : memref<4096xi32, #tpu.memory_space<hbm>> -> memref<128xi32, #tpu.memory_space<hbm>>
      %dma_wait3A_92 = tpu.memref_slice %arg3[%mul3A_2] : memref<4096xi32, #tpu.memory_space<hbm>> -> memref<128xi32, #tpu.memory_space<hbm>>
      tpu.wait_dma2 semaphore(%run_scoped3A : memref<!tpu.dma_semaphore, #tpu.memory_space<semaphore_mem>>) src(%dma_wait3A_92 : memref<128xi32, #tpu.memory_space<hbm>>) dst(%arg5 : memref<128xi32, #tpu.memory_space<vmem>>)
      tpu.yield
    }) : () -> ()
    %add3A_3 = arith.constant 0 : i32
    %add3A_4 = arith.addi %mul3A_2, %add3A_3 : i32
    %dma_start3A = arith.constant 0 : i32
    %dma_start3A_5 = tpu.memref_slice %arg5[%dma_start3A] : memref<128xi32, #tpu.memory_space<vmem>> -> memref<32xi32, #tpu.memory_space<vmem>>
    %dma_start3A_6 = arith.constant 0 : i32
    %dma_start3A_7 = arith.constant 0 : i32
    %dma_start3A_8 = tpu.memref_slice %arg2[%dma_start3A_6, %dma_start3A_7] : memref<256x1024xf32, #tpu.memory_space<hbm>> -> memref<256x1024xf32, #tpu.memory_space<hbm>>
    tpu.enqueue_indirect_dma source(%dma_start3A_8 : memref<256x1024xf32, #tpu.memory_space<hbm>>) target(%arg6 : memref<32x1024xf32, #tpu.memory_space<vmem>>) offsets(%dma_start3A_5 : memref<32xi32, #tpu.memory_space<vmem>>) semaphore(%arg9 : memref<!tpu.dma_semaphore, #tpu.memory_space<semaphore_mem>>)
    %add3A_9 = arith.constant 32 : i32
    %add3A_10 = arith.addi %mul3A_2, %add3A_9 : i32
    %dma_start3A_11 = arith.constant 32 : i32
    %dma_start3A_12 = tpu.memref_slice %arg5[%dma_start3A_11] : memref<128xi32, #tpu.memory_space<vmem>> -> memref<32xi32, #tpu.memory_space<vmem>>
    %dma_start3A_13 = arith.constant 0 : i32
    %dma_start3A_14 = arith.constant 0 : i32
    %dma_start3A_15 = tpu.memref_slice %arg2[%dma_start3A_13, %dma_start3A_14] : memref<256x1024xf32, #tpu.memory_space<hbm>> -> memref<256x1024xf32, #tpu.memory_space<hbm>>
    tpu.enqueue_indirect_dma source(%dma_start3A_15 : memref<256x1024xf32, #tpu.memory_space<hbm>>) target(%arg7 : memref<32x1024xf32, #tpu.memory_space<vmem>>) offsets(%dma_start3A_12 : memref<32xi32, #tpu.memory_space<vmem>>) semaphore(%arg10 : memref<!tpu.dma_semaphore, #tpu.memory_space<semaphore_mem>>)
    %dma_wait3A = arith.constant 0 : i32
    %dma_wait3A_16 = tpu.memref_slice %arg5[%dma_wait3A] : memref<128xi32, #tpu.memory_space<vmem>> -> memref<32xi32, #tpu.memory_space<vmem>>
    %dma_wait3A_17 = arith.constant 0 : i32
    %dma_wait3A_18 = arith.constant 0 : i32
    %dma_wait3A_19 = tpu.memref_slice %arg2[%dma_wait3A_17, %dma_wait3A_18] : memref<256x1024xf32, #tpu.memory_space<hbm>> -> memref<256x1024xf32, #tpu.memory_space<hbm>>
    tpu.wait_indirect_dma semaphore(%arg9 : memref<!tpu.dma_semaphore, #tpu.memory_space<semaphore_mem>>) src(%dma_wait3A_19 : memref<256x1024xf32, #tpu.memory_space<hbm>>) dst(%arg6 : memref<32x1024xf32, #tpu.memory_space<vmem>>)
    %add3A_20 = arith.constant 0 : i32
    %add3A_21 = arith.addi %mul3A_2, %add3A_20 : i32
    %dma_start3A_22 = arith.constant 0 : i32
    %dma_start3A_23 = tpu.memref_slice %arg4[%add3A_21, %dma_start3A_22] : memref<4096x1024xf32, #tpu.memory_space<hbm>> -> memref<32x1024xf32, #tpu.memory_space<hbm>>
    %dma_start3A_24 = arith.constant 0 : i32
    %dma_start3A_25 = tpu.memref_slice %arg4[%add3A_21, %dma_start3A_24] : memref<4096x1024xf32, #tpu.memory_space<hbm>> -> memref<32x1024xf32, #tpu.memory_space<hbm>>
    tpu.enqueue_dma source(%arg6 : memref<32x1024xf32, #tpu.memory_space<vmem>>) target(%dma_start3A_25 : memref<32x1024xf32, #tpu.memory_space<hbm>>) target_semaphore(%arg12 : memref<!tpu.dma_semaphore, #tpu.memory_space<semaphore_mem>>)
    %add3A_26 = arith.constant 64 : i32
    %add3A_27 = arith.addi %mul3A_2, %add3A_26 : i32
    %dma_start3A_28 = arith.constant 64 : i32
    %dma_start3A_29 = tpu.memref_slice %arg5[%dma_start3A_28] : memref<128xi32, #tpu.memory_space<vmem>> -> memref<32xi32, #tpu.memory_space<vmem>>
    %dma_start3A_30 = arith.constant 0 : i32
    %dma_start3A_31 = arith.constant 0 : i32
    %dma_start3A_32 = tpu.memref_slice %arg2[%dma_start3A_30, %dma_start3A_31] : memref<256x1024xf32, #tpu.memory_space<hbm>> -> memref<256x1024xf32, #tpu.memory_space<hbm>>
    tpu.enqueue_indirect_dma source(%dma_start3A_32 : memref<256x1024xf32, #tpu.memory_space<hbm>>) target(%arg8 : memref<32x1024xf32, #tpu.memory_space<vmem>>) offsets(%dma_start3A_29 : memref<32xi32, #tpu.memory_space<vmem>>) semaphore(%arg11 : memref<!tpu.dma_semaphore, #tpu.memory_space<semaphore_mem>>)
    %dma_wait3A_33 = arith.constant 32 : i32
    %dma_wait3A_34 = tpu.memref_slice %arg5[%dma_wait3A_33] : memref<128xi32, #tpu.memory_space<vmem>> -> memref<32xi32, #tpu.memory_space<vmem>>
    %dma_wait3A_35 = arith.constant 0 : i32
    %dma_wait3A_36 = arith.constant 0 : i32
    %dma_wait3A_37 = tpu.memref_slice %arg2[%dma_wait3A_35, %dma_wait3A_36] : memref<256x1024xf32, #tpu.memory_space<hbm>> -> memref<256x1024xf32, #tpu.memory_space<hbm>>
    tpu.wait_indirect_dma semaphore(%arg10 : memref<!tpu.dma_semaphore, #tpu.memory_space<semaphore_mem>>) src(%dma_wait3A_37 : memref<256x1024xf32, #tpu.memory_space<hbm>>) dst(%arg7 : memref<32x1024xf32, #tpu.memory_space<vmem>>)
    %add3A_38 = arith.constant 32 : i32
    %add3A_39 = arith.addi %mul3A_2, %add3A_38 : i32
    %dma_start3A_40 = arith.constant 0 : i32
    %dma_start3A_41 = tpu.memref_slice %arg4[%add3A_39, %dma_start3A_40] : memref<4096x1024xf32, #tpu.memory_space<hbm>> -> memref<32x1024xf32, #tpu.memory_space<hbm>>
    %dma_start3A_42 = arith.constant 0 : i32
    %dma_start3A_43 = tpu.memref_slice %arg4[%add3A_39, %dma_start3A_42] : memref<4096x1024xf32, #tpu.memory_space<hbm>> -> memref<32x1024xf32, #tpu.memory_space<hbm>>
    tpu.enqueue_dma source(%arg7 : memref<32x1024xf32, #tpu.memory_space<vmem>>) target(%dma_start3A_43 : memref<32x1024xf32, #tpu.memory_space<hbm>>) target_semaphore(%arg13 : memref<!tpu.dma_semaphore, #tpu.memory_space<semaphore_mem>>)
    %dma_wait3A_44 = arith.constant 0 : i32
    %dma_wait3A_45 = tpu.memref_slice %arg4[%add3A_21, %dma_wait3A_44] : memref<4096x1024xf32, #tpu.memory_space<hbm>> -> memref<32x1024xf32, #tpu.memory_space<hbm>>
    %dma_wait3A_46 = arith.constant 0 : i32
    %dma_wait3A_47 = tpu.memref_slice %arg4[%add3A_21, %dma_wait3A_46] : memref<4096x1024xf32, #tpu.memory_space<hbm>> -> memref<32x1024xf32, #tpu.memory_space<hbm>>
    tpu.wait_dma2 semaphore(%arg12 : memref<!tpu.dma_semaphore, #tpu.memory_space<semaphore_mem>>) src(%arg6 : memref<32x1024xf32, #tpu.memory_space<vmem>>) dst(%dma_wait3A_47 : memref<32x1024xf32, #tpu.memory_space<hbm>>)
    %add3A_48 = arith.constant 96 : i32
    %add3A_49 = arith.addi %mul3A_2, %add3A_48 : i32
    %dma_start3A_50 = arith.constant 96 : i32
    %dma_start3A_51 = tpu.memref_slice %arg5[%dma_start3A_50] : memref<128xi32, #tpu.memory_space<vmem>> -> memref<32xi32, #tpu.memory_space<vmem>>
    %dma_start3A_52 = arith.constant 0 : i32
    %dma_start3A_53 = arith.constant 0 : i32
    %dma_start3A_54 = tpu.memref_slice %arg2[%dma_start3A_52, %dma_start3A_53] : memref<256x1024xf32, #tpu.memory_space<hbm>> -> memref<256x1024xf32, #tpu.memory_space<hbm>>
    tpu.enqueue_indirect_dma source(%dma_start3A_54 : memref<256x1024xf32, #tpu.memory_space<hbm>>) target(%arg6 : memref<32x1024xf32, #tpu.memory_space<vmem>>) offsets(%dma_start3A_51 : memref<32xi32, #tpu.memory_space<vmem>>) semaphore(%arg9 : memref<!tpu.dma_semaphore, #tpu.memory_space<semaphore_mem>>)
    %dma_wait3A_55 = arith.constant 64 : i32
    %dma_wait3A_56 = tpu.memref_slice %arg5[%dma_wait3A_55] : memref<128xi32, #tpu.memory_space<vmem>> -> memref<32xi32, #tpu.memory_space<vmem>>
    %dma_wait3A_57 = arith.constant 0 : i32
    %dma_wait3A_58 = arith.constant 0 : i32
    %dma_wait3A_59 = tpu.memref_slice %arg2[%dma_wait3A_57, %dma_wait3A_58] : memref<256x1024xf32, #tpu.memory_space<hbm>> -> memref<256x1024xf32, #tpu.memory_space<hbm>>
    tpu.wait_indirect_dma semaphore(%arg11 : memref<!tpu.dma_semaphore, #tpu.memory_space<semaphore_mem>>) src(%dma_wait3A_59 : memref<256x1024xf32, #tpu.memory_space<hbm>>) dst(%arg8 : memref<32x1024xf32, #tpu.memory_space<vmem>>)
    %add3A_60 = arith.constant 64 : i32
    %add3A_61 = arith.addi %mul3A_2, %add3A_60 : i32
    %dma_start3A_62 = arith.constant 0 : i32
    %dma_start3A_63 = tpu.memref_slice %arg4[%add3A_61, %dma_start3A_62] : memref<4096x1024xf32, #tpu.memory_space<hbm>> -> memref<32x1024xf32, #tpu.memory_space<hbm>>
    %dma_start3A_64 = arith.constant 0 : i32
    %dma_start3A_65 = tpu.memref_slice %arg4[%add3A_61, %dma_start3A_64] : memref<4096x1024xf32, #tpu.memory_space<hbm>> -> memref<32x1024xf32, #tpu.memory_space<hbm>>
    tpu.enqueue_dma source(%arg8 : memref<32x1024xf32, #tpu.memory_space<vmem>>) target(%dma_start3A_65 : memref<32x1024xf32, #tpu.memory_space<hbm>>) target_semaphore(%arg14 : memref<!tpu.dma_semaphore, #tpu.memory_space<semaphore_mem>>)
    %dma_wait3A_66 = arith.constant 96 : i32
    %dma_wait3A_67 = tpu.memref_slice %arg5[%dma_wait3A_66] : memref<128xi32, #tpu.memory_space<vmem>> -> memref<32xi32, #tpu.memory_space<vmem>>
    %dma_wait3A_68 = arith.constant 0 : i32
    %dma_wait3A_69 = arith.constant 0 : i32
    %dma_wait3A_70 = tpu.memref_slice %arg2[%dma_wait3A_68, %dma_wait3A_69] : memref<256x1024xf32, #tpu.memory_space<hbm>> -> memref<256x1024xf32, #tpu.memory_space<hbm>>
    tpu.wait_indirect_dma semaphore(%arg9 : memref<!tpu.dma_semaphore, #tpu.memory_space<semaphore_mem>>) src(%dma_wait3A_70 : memref<256x1024xf32, #tpu.memory_space<hbm>>) dst(%arg6 : memref<32x1024xf32, #tpu.memory_space<vmem>>)
    %add3A_71 = arith.constant 96 : i32
    %add3A_72 = arith.addi %mul3A_2, %add3A_71 : i32
    %dma_start3A_73 = arith.constant 0 : i32
    %dma_start3A_74 = tpu.memref_slice %arg4[%add3A_72, %dma_start3A_73] : memref<4096x1024xf32, #tpu.memory_space<hbm>> -> memref<32x1024xf32, #tpu.memory_space<hbm>>
    %dma_start3A_75 = arith.constant 0 : i32
    %dma_start3A_76 = tpu.memref_slice %arg4[%add3A_72, %dma_start3A_75] : memref<4096x1024xf32, #tpu.memory_space<hbm>> -> memref<32x1024xf32, #tpu.memory_space<hbm>>
    tpu.enqueue_dma source(%arg6 : memref<32x1024xf32, #tpu.memory_space<vmem>>) target(%dma_start3A_76 : memref<32x1024xf32, #tpu.memory_space<hbm>>) target_semaphore(%arg12 : memref<!tpu.dma_semaphore, #tpu.memory_space<semaphore_mem>>)
    %dma_wait3A_77 = arith.constant 0 : i32
    %dma_wait3A_78 = tpu.memref_slice %arg4[%add3A_72, %dma_wait3A_77] : memref<4096x1024xf32, #tpu.memory_space<hbm>> -> memref<32x1024xf32, #tpu.memory_space<hbm>>
    %dma_wait3A_79 = arith.constant 0 : i32
    %dma_wait3A_80 = tpu.memref_slice %arg4[%add3A_72, %dma_wait3A_79] : memref<4096x1024xf32, #tpu.memory_space<hbm>> -> memref<32x1024xf32, #tpu.memory_space<hbm>>
    tpu.wait_dma2 semaphore(%arg12 : memref<!tpu.dma_semaphore, #tpu.memory_space<semaphore_mem>>) src(%arg6 : memref<32x1024xf32, #tpu.memory_space<vmem>>) dst(%dma_wait3A_80 : memref<32x1024xf32, #tpu.memory_space<hbm>>)
    %dma_wait3A_81 = arith.constant 0 : i32
    %dma_wait3A_82 = tpu.memref_slice %arg4[%add3A_39, %dma_wait3A_81] : memref<4096x1024xf32, #tpu.memory_space<hbm>> -> memref<32x1024xf32, #tpu.memory_space<hbm>>
    %dma_wait3A_83 = arith.constant 0 : i32
    %dma_wait3A_84 = tpu.memref_slice %arg4[%add3A_39, %dma_wait3A_83] : memref<4096x1024xf32, #tpu.memory_space<hbm>> -> memref<32x1024xf32, #tpu.memory_space<hbm>>
    tpu.wait_dma2 semaphore(%arg13 : memref<!tpu.dma_semaphore, #tpu.memory_space<semaphore_mem>>) src(%arg7 : memref<32x1024xf32, #tpu.memory_space<vmem>>) dst(%dma_wait3A_84 : memref<32x1024xf32, #tpu.memory_space<hbm>>)
    %dma_wait3A_85 = arith.constant 0 : i32
    %dma_wait3A_86 = tpu.memref_slice %arg4[%add3A_61, %dma_wait3A_85] : memref<4096x1024xf32, #tpu.memory_space<hbm>> -> memref<32x1024xf32, #tpu.memory_space<hbm>>
    %dma_wait3A_87 = arith.constant 0 : i32
    %dma_wait3A_88 = tpu.memref_slice %arg4[%add3A_61, %dma_wait3A_87] : memref<4096x1024xf32, #tpu.memory_space<hbm>> -> memref<32x1024xf32, #tpu.memory_space<hbm>>
    tpu.wait_dma2 semaphore(%arg14 : memref<!tpu.dma_semaphore, #tpu.memory_space<semaphore_mem>>) src(%arg8 : memref<32x1024xf32, #tpu.memory_space<vmem>>) dst(%dma_wait3A_88 : memref<32x1024xf32, #tpu.memory_space<hbm>>)
    return
  }
}

module attributes {stable_mosaic.version = 14 : i64} {
  func.func @_prep_body(%arg0: memref<256x1024xf32, #tpu.memory_space<vmem>>, %arg1: memref<256x1024xf32, #tpu.memory_space<vmem>>, %arg2: memref<1024x256xbf16, #tpu.memory_space<vmem>>) attributes {dimension_semantics = [], scalar_prefetch = 0 : i64, scratch_operands = 0 : i64, tpu.core_type = #tpu.core_type<tc>} {
    %get3A = arith.constant 0 : index
    %get3A_0 = arith.constant 0 : index
    %get3A_1 = vector.load %arg0[%get3A, %get3A_0] : memref<256x1024xf32, #tpu.memory_space<vmem>>, vector<256x1024xf32>
    %mul3A = arith.mulf %get3A_1, %get3A_1 : vector<256x1024xf32>
    %reduce_sum3A = arith.constant dense<0.000000e+00> : vector<256xf32>
    %reduce_sum3A_2 = vector.multi_reduction <add>, %mul3A, %reduce_sum3A [1] : vector<256x1024xf32> to vector<256xf32>
    %gt3A = arith.constant 0.00999999977 : f32
    %gt3A_3 = vector.broadcast %gt3A : f32 to vector<256xf32>
    %gt3A_4 = arith.cmpf ogt, %reduce_sum3A_2, %gt3A_3 : vector<256xf32>
    %broadcast_in_dim3A = vector.shape_cast %gt3A_4 : vector<256xi1> to vector<256x1xi1>
    %jit3A = arith.constant 0.000000e+00 : f32
    %broadcast_in_dim3A_5 = vector.shape_cast %broadcast_in_dim3A : vector<256x1xi1> to vector<256x1xi1>
    %broadcast_in_dim3A_6 = vector.broadcast %broadcast_in_dim3A_5 : vector<256x1xi1> to vector<256x1024xi1>
    %broadcast_in_dim3A_7 = vector.broadcast %jit3A : f32 to vector<256x1024xf32>
    %select_n3A = arith.select %broadcast_in_dim3A_6, %get3A_1, %broadcast_in_dim3A_7 : vector<256x1024xi1>, vector<256x1024xf32>
    %swap3A = arith.constant 0 : index
    %swap3A_8 = arith.constant 0 : index
    %swap3A_9 = vector.load %arg1[%swap3A, %swap3A_8] : memref<256x1024xf32, #tpu.memory_space<vmem>>, vector<256x1024xf32>
    tpu.vector_store %arg1[%swap3A, %swap3A_8], %select_n3A {strides = array<i32>} : memref<256x1024xf32, #tpu.memory_space<vmem>>, vector<256x1024xf32>,
    %transpose3A = tpu.transpose %get3A_1, [1, 0] : vector<256x1024xf32> -> vector<1024x256xf32>
    %convert_element_type3A = arith.truncf %transpose3A : vector<1024x256xf32> to vector<1024x256xbf16>
    %swap3A_10 = arith.constant 0 : index
    %swap3A_11 = arith.constant 0 : index
    %swap3A_12 = vector.load %arg2[%swap3A_10, %swap3A_11] : memref<1024x256xbf16, #tpu.memory_space<vmem>>, vector<1024x256xbf16>
    tpu.vector_store %arg2[%swap3A_10, %swap3A_11], %convert_element_type3A {strides = array<i32>} : memref<1024x256xbf16, #tpu.memory_space<vmem>>, vector<1024x256xbf16>,
    return
  }
}

module attributes {stable_mosaic.version = 14 : i64} {
  func.func @_argmin_body(%arg0: i32, %arg1: memref<1x256xf32, #tpu.memory_space<vmem>>, %arg2: memref<1024x256xbf16, #tpu.memory_space<vmem>>, %arg3: memref<1024x1024xbf16, #tpu.memory_space<vmem>>, %arg4: memref<1024x1xf32, #tpu.memory_space<vmem>>, %arg5: memref<1x1x1024xi32, #tpu.memory_space<vmem>>) attributes {dimension_semantics = [#tpu.dimension_semantics<arbitrary>], iteration_bounds = array<i64: 4>, scalar_prefetch = 0 : i64, scratch_operands = 0 : i64, tpu.core_type = #tpu.core_type<tc>, window_params = [{pipeline_mode = #tpu.pipeline_mode<synchronous>, transform_indices = @transform_0, window_bounds = array<i64: 1, 256>}, {pipeline_mode = #tpu.pipeline_mode<synchronous>, transform_indices = @transform_1, window_bounds = array<i64: 1024, 256>}, {transform_indices = @transform_2, window_bounds = array<i64: 1024, 1024>}, {transform_indices = @transform_3, window_bounds = array<i64: 1024, 1>}, {transform_indices = @transform_4, window_bounds = array<i64: 1, 1, 1024>}]} {
    %get3A = arith.constant 0 : index
    %get3A_0 = arith.constant 0 : index
    %get3A_1 = vector.load %arg3[%get3A, %get3A_0] : memref<1024x1024xbf16, #tpu.memory_space<vmem>>, vector<1024x1024xbf16>
    %get3A_2 = arith.constant 0 : index
    %get3A_3 = arith.constant 0 : index
    %get3A_4 = vector.load %arg2[%get3A_2, %get3A_3] : memref<1024x256xbf16, #tpu.memory_space<vmem>>, vector<1024x256xbf16>
    %dot_general3A = arith.constant dense<0.000000e+00> : vector<1024x256xf32>
    %dot_general3A_5 = tpu.matmul %get3A_1, %get3A_4, %dot_general3A {dimension_numbers = #tpu.dot_dimension_numbers<[1], [0], [0], [1], [0, 0, 1, 1], [], []>, transpose_lhs_hint = false} : vector<1024x1024xbf16>, vector<1024x256xbf16>, vector<1024x256xf32> -> vector<1024x256xf32>
    %get3A_6 = arith.constant 0 : index
    %get3A_7 = arith.constant 0 : index
    %get3A_8 = vector.load %arg4[%get3A_6, %get3A_7] : memref<1024x1xf32, #tpu.memory_space<vmem>>, vector<1024x1xf32>
    %get3A_9 = arith.constant 0 : index
    %get3A_10 = arith.constant 0 : index
    %get3A_11 = vector.load %arg1[%get3A_9, %get3A_10] : memref<1x256xf32, #tpu.memory_space<vmem>>, vector<1x256xf32>
    %add3A = vector.broadcast %get3A_8 : vector<1024x1xf32> to vector<1024x256xf32>
    %add3A_12 = vector.broadcast %get3A_11 : vector<1x256xf32> to vector<1024x256xf32>
    %add3A_13 = arith.addf %add3A, %add3A_12 : vector<1024x256xf32>
    %mul3A = arith.constant 2.000000e+00 : f32
    %mul3A_14 = vector.broadcast %mul3A : f32 to vector<1024x256xf32>
    %mul3A_15 = arith.mulf %mul3A_14, %dot_general3A_5 : vector<1024x256xf32>
    %sub3A = arith.subf %add3A_13, %mul3A_15 : vector<1024x256xf32>
    %max3A = arith.constant 0.000000e+00 : f32
    %max3A_16 = vector.broadcast %max3A : f32 to vector<1024x256xf32>
    %max3A_17 = arith.maximumf %sub3A, %max3A_16 : vector<1024x256xf32>
    %sqrt3A = math.sqrt %max3A_17 : vector<1024x256xf32>
    %reduce_min3A = arith.constant dense<0x7F800000> : vector<1024xf32>
    %reduce_min3A_18 = vector.multi_reduction <minimumf>, %sqrt3A, %reduce_min3A [1] : vector<1024x256xf32> to vector<1024xf32>
    %broadcast_in_dim3A = vector.shape_cast %reduce_min3A_18 : vector<1024xf32> to vector<1024x1xf32>
    %iota3A = tpu.iota {dimensions = array<i32: 1>} : vector<1024x256xi32>
    %le3A = vector.broadcast %broadcast_in_dim3A : vector<1024x1xf32> to vector<1024x256xf32>
    %le3A_19 = arith.cmpf ole, %sqrt3A, %le3A : vector<1024x256xf32>
    %jit3A = arith.constant 256 : i32
    %broadcast_in_dim3A_20 = vector.broadcast %jit3A : i32 to vector<1024x256xi32>
    %select_n3A = arith.select %le3A_19, %iota3A, %broadcast_in_dim3A_20 : vector<1024x256xi1>, vector<1024x256xi32>
    %reduce_min3A_21 = arith.constant dense<2147483647> : vector<1024xi32>
    %reduce_min3A_22 = vector.multi_reduction <minsi>, %select_n3A, %reduce_min3A_21 [1] : vector<1024x256xi32> to vector<1024xi32>
    %swap3A = arith.constant 0 : index
    %swap3A_23 = arith.constant 0 : index
    %swap3A_24 = arith.constant 0 : index
    %swap3A_25 = vector.load %arg5[%swap3A, %swap3A_23, %swap3A_24] : memref<1x1x1024xi32, #tpu.memory_space<vmem>>, vector<1x1x1024xi32>
    %swap3A_26 = vector.shape_cast %swap3A_25 : vector<1x1x1024xi32> to vector<1024xi32>
    %swap3A_27 = vector.shape_cast %reduce_min3A_22 : vector<1024xi32> to vector<1x1x1024xi32>
    tpu.vector_store %arg5[%swap3A, %swap3A_23, %swap3A_24], %swap3A_27 {strides = array<i32>} : memref<1x1x1024xi32, #tpu.memory_space<vmem>>, vector<1x1x1024xi32>,
    return
  }
  func.func @transform_0(%arg0: i32) -> (i32, i32) {
    %c0_i32 = arith.constant 0 : i32
    %c0_i32_0 = arith.constant 0 : i32
    %c0_i32_1 = arith.constant 0 : i32
    return %c0_i32, %c0_i32_0 : i32, i32
  }
  func.func @transform_1(%arg0: i32) -> (i32, i32) {
    %c0_i32 = arith.constant 0 : i32
    %c0_i32_0 = arith.constant 0 : i32
    %c0_i32_1 = arith.constant 0 : i32
    return %c0_i32, %c0_i32_0 : i32, i32
  }
  func.func @transform_2(%arg0: i32) -> (i32, i32) {
    %c0_i32 = arith.constant 0 : i32
    %c0_i32_0 = arith.constant 0 : i32
    return %arg0, %c0_i32 : i32, i32
  }
  func.func @transform_3(%arg0: i32) -> (i32, i32) {
    %c0_i32 = arith.constant 0 : i32
    %c0_i32_0 = arith.constant 0 : i32
    return %arg0, %c0_i32 : i32, i32
  }
  func.func @transform_4(%arg0: i32) -> (i32, i32, i32) {
    %c0_i32 = arith.constant 0 : i32
    %c0_i32_0 = arith.constant 0 : i32
    %c0_i32_1 = arith.constant 0 : i32
    return %arg0, %c0_i32, %c0_i32_0 : i32, i32, i32
  }
}

module attributes {stable_mosaic.version = 14 : i64} {
  func.func @_fused_body(%arg0: i32, %arg1: memref<1x256xf32, #tpu.memory_space<vmem>>, %arg2: memref<1024x256xbf16, #tpu.memory_space<vmem>>, %arg3: memref<256x1024xf32, #tpu.memory_space<vmem>>, %arg4: memref<1024x1024xbf16, #tpu.memory_space<vmem>>, %arg5: memref<1024x1xf32, #tpu.memory_space<vmem>>, %arg6: memref<1024x1024xf32, #tpu.memory_space<vmem>>) attributes {dimension_semantics = [#tpu.dimension_semantics<arbitrary>], iteration_bounds = array<i64: 4>, scalar_prefetch = 0 : i64, scratch_operands = 0 : i64, tpu.core_type = #tpu.core_type<tc>, window_params = [{pipeline_mode = #tpu.pipeline_mode<synchronous>, transform_indices = @transform_0, window_bounds = array<i64: 1, 256>}, {pipeline_mode = #tpu.pipeline_mode<synchronous>, transform_indices = @transform_1, window_bounds = array<i64: 1024, 256>}, {pipeline_mode = #tpu.pipeline_mode<synchronous>, transform_indices = @transform_2, window_bounds = array<i64: 256, 1024>}, {transform_indices = @transform_3, window_bounds = array<i64: 1024, 1024>}, {transform_indices = @transform_4, window_bounds = array<i64: 1024, 1>}, {transform_indices = @transform_5, window_bounds = array<i64: 1024, 1024>}]} {
    %get3A = arith.constant 0 : index
    %get3A_0 = arith.constant 0 : index
    %get3A_1 = vector.load %arg4[%get3A, %get3A_0] : memref<1024x1024xbf16, #tpu.memory_space<vmem>>, vector<1024x1024xbf16>
    %get3A_2 = arith.constant 0 : index
    %get3A_3 = arith.constant 0 : index
    %get3A_4 = vector.load %arg2[%get3A_2, %get3A_3] : memref<1024x256xbf16, #tpu.memory_space<vmem>>, vector<1024x256xbf16>
    %dot_general3A = arith.constant dense<0.000000e+00> : vector<1024x256xf32>
    %dot_general3A_5 = tpu.matmul %get3A_1, %get3A_4, %dot_general3A {dimension_numbers = #tpu.dot_dimension_numbers<[1], [0], [0], [1], [0, 0, 1, 1], [], []>, transpose_lhs_hint = false} : vector<1024x1024xbf16>, vector<1024x256xbf16>, vector<1024x256xf32> -> vector<1024x256xf32>
    %get3A_6 = arith.constant 0 : index
    %get3A_7 = arith.constant 0 : index
    %get3A_8 = vector.load %arg5[%get3A_6, %get3A_7] : memref<1024x1xf32, #tpu.memory_space<vmem>>, vector<1024x1xf32>
    %get3A_9 = arith.constant 0 : index
    %get3A_10 = arith.constant 0 : index
    %get3A_11 = vector.load %arg1[%get3A_9, %get3A_10] : memref<1x256xf32, #tpu.memory_space<vmem>>, vector<1x256xf32>
    %add3A = vector.broadcast %get3A_8 : vector<1024x1xf32> to vector<1024x256xf32>
    %add3A_12 = vector.broadcast %get3A_11 : vector<1x256xf32> to vector<1024x256xf32>
    %add3A_13 = arith.addf %add3A, %add3A_12 : vector<1024x256xf32>
    %mul3A = arith.constant 2.000000e+00 : f32
    %mul3A_14 = vector.broadcast %mul3A : f32 to vector<1024x256xf32>
    %mul3A_15 = arith.mulf %mul3A_14, %dot_general3A_5 : vector<1024x256xf32>
    %sub3A = arith.subf %add3A_13, %mul3A_15 : vector<1024x256xf32>
    %max3A = arith.constant 0.000000e+00 : f32
    %max3A_16 = vector.broadcast %max3A : f32 to vector<1024x256xf32>
    %max3A_17 = arith.maximumf %sub3A, %max3A_16 : vector<1024x256xf32>
    %sqrt3A = math.sqrt %max3A_17 : vector<1024x256xf32>
    %reduce_min3A = arith.constant dense<0x7F800000> : vector<1024xf32>
    %reduce_min3A_18 = vector.multi_reduction <minimumf>, %sqrt3A, %reduce_min3A [1] : vector<1024x256xf32> to vector<1024xf32>
    %broadcast_in_dim3A = vector.shape_cast %reduce_min3A_18 : vector<1024xf32> to vector<1024x1xf32>
    %iota3A = tpu.iota {dimensions = array<i32: 1>} : vector<1024x256xi32>
    %le3A = vector.broadcast %broadcast_in_dim3A : vector<1024x1xf32> to vector<1024x256xf32>
    %le3A_19 = arith.cmpf ole, %sqrt3A, %le3A : vector<1024x256xf32>
    %jit3A = arith.constant 256 : i32
    %broadcast_in_dim3A_20 = vector.broadcast %jit3A : i32 to vector<1024x256xi32>
    %select_n3A = arith.select %le3A_19, %iota3A, %broadcast_in_dim3A_20 : vector<1024x256xi1>, vector<1024x256xi32>
    %reduce_min3A_21 = arith.constant dense<2147483647> : vector<1024xi32>
    %reduce_min3A_22 = vector.multi_reduction <minsi>, %select_n3A, %reduce_min3A_21 [1] : vector<1024x256xi32> to vector<1024xi32>
    %broadcast_in_dim3A_23 = vector.shape_cast %reduce_min3A_22 : vector<1024xi32> to vector<1024x1xi32>
    %eq3A = vector.broadcast %broadcast_in_dim3A_23 : vector<1024x1xi32> to vector<1024x256xi32>
    %eq3A_24 = arith.cmpi eq, %iota3A, %eq3A : vector<1024x256xi32>
    %convert_element_type3A = arith.extui %eq3A_24 : vector<1024x256xi1> to vector<1024x256xi32>
    %convert_element_type3A_25 = arith.sitofp %convert_element_type3A : vector<1024x256xi32> to vector<1024x256xf32>
    %get3A_26 = arith.constant 0 : index
    %get3A_27 = arith.constant 0 : index
    %get3A_28 = vector.load %arg3[%get3A_26, %get3A_27] : memref<256x1024xf32, #tpu.memory_space<vmem>>, vector<256x1024xf32>
    %dot_general3A_29 = arith.constant dense<0.000000e+00> : vector<1024x1024xf32>
    %dot_general3A_30 = tpu.matmul %convert_element_type3A_25, %get3A_28, %dot_general3A_29 {dimension_numbers = #tpu.dot_dimension_numbers<[1], [0], [0], [1], [0, 0, 1, 1], [], []>, transpose_lhs_hint = false} : vector<1024x256xf32>, vector<256x1024xf32>, vector<1024x1024xf32> -> vector<1024x1024xf32>
    %swap3A = arith.constant 0 : index
    %swap3A_31 = arith.constant 0 : index
    %swap3A_32 = vector.load %arg6[%swap3A, %swap3A_31] : memref<1024x1024xf32, #tpu.memory_space<vmem>>, vector<1024x1024xf32>
    tpu.vector_store %arg6[%swap3A, %swap3A_31], %dot_general3A_30 {strides = array<i32>} : memref<1024x1024xf32, #tpu.memory_space<vmem>>, vector<1024x1024xf32>,
    return
  }
  func.func @transform_0(%arg0: i32) -> (i32, i32) {
    %c0_i32 = arith.constant 0 : i32
    %c0_i32_0 = arith.constant 0 : i32
    %c0_i32_1 = arith.constant 0 : i32
    return %c0_i32, %c0_i32_0 : i32, i32
  }
  func.func @transform_1(%arg0: i32) -> (i32, i32) {
    %c0_i32 = arith.constant 0 : i32
    %c0_i32_0 = arith.constant 0 : i32
    %c0_i32_1 = arith.constant 0 : i32
    return %c0_i32, %c0_i32_0 : i32, i32
  }
  func.func @transform_2(%arg0: i32) -> (i32, i32) {
    %c0_i32 = arith.constant 0 : i32
    %c0_i32_0 = arith.constant 0 : i32
    %c0_i32_1 = arith.constant 0 : i32
    return %c0_i32, %c0_i32_0 : i32, i32
  }
  func.func @transform_3(%arg0: i32) -> (i32, i32) {
    %c0_i32 = arith.constant 0 : i32
    %c0_i32_0 = arith.constant 0 : i32
    return %arg0, %c0_i32 : i32, i32
  }
  func.func @transform_4(%arg0: i32) -> (i32, i32) {
    %c0_i32 = arith.constant 0 : i32
    %c0_i32_0 = arith.constant 0 : i32
    return %arg0, %c0_i32 : i32, i32
  }
  func.func @transform_5(%arg0: i32) -> (i32, i32) {
    %c0_i32 = arith.constant 0 : i32
    %c0_i32_0 = arith.constant 0 : i32
    return %arg0, %c0_i32 : i32, i32
  }
}

</mosaic_0001>

<sc_bundles>
// kernel: kernel.6.cloned.1.call-start
scs
__scs_entry_jumppad:
0x0: {  	(pc) =	sbr.rel $0x88, $3  }
0x1: {  	(tag) =	ssettag $0x0;
	lr =	simm.s32 $0x1  }
0x2: {  	[smem:$0x3F9E] =	sst lr;
	_ =	strace $0xD0000000  }
0x3: {  	_ = 	snop  }
0x4: {  	_ = 	snop  }
0x5: {  	_ = 	snop  }
0x6: {  	_ = 	snop  }
0x7: {  	_ = 	snop  }
__scs_overlays_trampoline_lowered:
0x8: {  	[smem:$0x3FAD] =	sst s0  }
0x9: {  	[smem:$0x3FAE] =	sst s1  }
0xa: {  	[smem:$0x3FAF] =	sst s2  }
0xb: {  	[smem:$0x3FB0] =	sst s3  }
0xc: {  	[smem:$0x3FB1] =	sst s4  }
0xd: {  	[smem:$0x3FB2] =	sst s5  }
0xe: {  	[smem:$0x3FB3] =	sst s6  }
0xf: {  	[smem:$0x3FB4] =	sst s7  }
0x10: {  	[smem:$0x3FB5] =	sst s8  }
0x11: {  	[smem:$0x3FB6] =	sst s9;
	s0 =	simm.s32 @!p0 $0x0  }
0x12: {  	s1 =	sld [smem:$0x3F9C];
	s0 =	simm.s32 @p0 $0x1  }
0x13: {  	[smem:$0x3FB7] =	sst s0;
	s0 =	simm.s32 @!p1 $0x0  }
0x14: {  	s2 =	sld [smem:$0x3F9B];
	s0 =	simm.s32 @p1 $0x1  }
0x15: {  	[smem:$0x3FB8] =	sst s0;
	s0 =	simm.s32 @!p2 $0x0  }
0x16: {  	s3 =	sld [smem:$0x3FDB];
	s0 =	simm.s32 @p2 $0x1  }
0x17: {  	s4 =	simm.s32 $0x1BF5;
	[smem:$0x3FBA] =	sst s0  }
0x18: {  	s0 =	sld [smem:$0x3F9D];
	_ =	swait.ge [sflag:s4], $0x0  }
0x19: {  	s7 =	sld [smem:$0x3F9E]  }
0x1a: {  	s8 =	sadd.s32 $0xFFFFE003, lr  }
0x1b: {  	s9 =	sadd.s32 $0xFFFFFEF7, lr;
	s5 =	simm.s32 $0xFFFFFFFF;
	p2 =	slt.u32 s8, $0xFFFFF086  }
0x1c: {  	p1 =	slt.u32 s9, $0xF7A;
	s5 =	simm.s32 @!p2 $0x0  }
0x1d: {  	s5 =	simm.s32 @p1 $0x1;
	p0 =	seq.s32 s7, s2  }
0x1e: {  	s7 =	smul.u32 @!p0 $0xF7A, s2;
	p2 =	seq.s32 @!p0 s5, $0x0  }
0x1f: {  	s9 =	smul.u32 $0xF7A, s1;
	s8 =	simm.s32 @!p0 $0x1BF5;
	p2 =	por !p2, p0  }
0x20: {  	[sflag:s8] =	ssyncset.s32 @!p0 $0xFFFFF086;
	s6 =	sadd.s32 @!p0 s3, s7;
	s7 =	simm.s32 @!p0 $0x108  }
0x21: {  	s3 =	sadd.s32 s3, s9;
	s6 =	sadd.s32 @!p0 $0x88, s6;
	s7 =	simm.s32 @p2 $0x1082  }
0x22: {  	[simem:s7], [sflag:s8] =	dma.local @!p0 [hbm:s6], $0xF7A  }
0x23: {  	s9 =	sor.u32 $0xD0000000, s2;
	s6 =	simm.s32 $0x108;
	_ =	swait.ge @!p0 [sflag:s8], $0x0  }
0x24: {  	s3 =	sadd.s32 $0x88, s3;
	s6 =	simm.s32 @!p1 $0x1082;
	[sflag:s4] =	ssyncset.s32 $0xFFFFF086  }
0x25: {  	[simem:s6], [sflag:s4] =	dma.local [hbm:s3], $0xF7A  }
0x26: {  	[smem:$0x3F9E] =	sst s1;
	(tag) =	ssettag s2;
	_ =	strace s9  }
0x27: {  	s1 =	sld [smem:$0x3FAE]  }
0x28: {  	s2 =	sld [smem:$0x3FAF]  }
0x29: {  	s4 =	sld [smem:$0x3FB1]  }
0x2a: {  	p0 =	seq.s32 s5, $0x0;
	s5 =	sld [smem:$0x3FB2]  }
0x2b: {  	s6 =	sld [smem:$0x3FB3]  }
0x2c: {  	s7 =	sld [smem:$0x3FB4]  }
0x2d: {  	s3 =	simm.s32 $0x108;
	s8 =	sld [smem:$0x3FB5]  }
0x2e: {  	s3 =	simm.s32 @!p0 $0x1082;
	s9 =	sld [smem:$0x3FB6]  }
0x2f: {  	lr =	sadd.s32 s0, s3;
	s0 =	sld [smem:$0x3FAD]  }
0x30: {  	s3 =	sld [smem:$0x3FB0]  }
0x31: {  	[smem:$0x3FB9] =	sst s10  }
0x32: {  	s10 =	sld [smem:$0x3FB7];
	_ =	sdelay $0x3  }
0x33: {  	p0 =	seq.s32 s10, $0x1;
	s10 =	sld [smem:$0x3FB9];
	_ =	sdelay $0x3  }
0x34: {  	[smem:$0x3FB9] =	sst s10  }
0x35: {  	s10 =	sld [smem:$0x3FB8];
	_ =	sdelay $0x3  }
0x36: {  	p1 =	seq.s32 s10, $0x1;
	s10 =	sld [smem:$0x3FB9];
	_ =	sdelay $0x3  }
0x37: {  	[smem:$0x3FB9] =	sst s10  }
0x38: {  	s10 =	sld [smem:$0x3FBA]  }
0x39: {  	_ = 	snop;
	(pc) =	sbr.ind lr, $3  }
0x3a: {  	_ = 	snop  }
0x3b: {  	_ = 	snop  }
0x3c: {  	p2 =	seq.s32 s10, $0x1;
	s10 =	sld [smem:$0x3FB9]  }
0x3d: {  	_ =	shalt  }
0x3e: {  	_ =	shalt  }
0x3f: {  	_ =	shalt  }
0x40: {  	_ =	shalt  }
0x41: {  	_ =	shalt  }
0x42: {  	_ =	shalt  }
0x43: {  	_ =	shalt  }
0x44: {  	_ =	shalt  }
0x45: {  	_ =	shalt  }
0x46: {  	_ =	shalt  }
0x47: {  	_ =	shalt  }
0x48: {  	_ =	shalt  }
0x49: {  	_ =	shalt  }
0x4a: {  	_ =	shalt  }
0x4b: {  	_ =	shalt  }
0x4c: {  	_ =	shalt  }
0x4d: {  	_ =	shalt  }
0x4e: {  	_ =	shalt  }
0x4f: {  	_ =	shalt  }
0x50: {  	_ =	shalt  }
0x51: {  	_ =	shalt  }
0x52: {  	_ =	shalt  }
0x53: {  	_ =	shalt  }
0x54: {  	_ =	shalt  }
0x55: {  	_ =	shalt  }
0x56: {  	_ =	shalt  }
0x57: {  	_ =	shalt  }
0x58: {  	_ =	shalt  }
0x59: {  	_ =	shalt  }
0x5a: {  	_ =	shalt  }
0x5b: {  	_ =	shalt  }
0x5c: {  	_ =	shalt  }
0x5d: {  	_ =	shalt  }
0x5e: {  	_ =	shalt  }
0x5f: {  	_ =	shalt  }
0x60: {  	_ =	shalt  }
0x61: {  	_ =	shalt  }
0x62: {  	_ =	shalt  }
0x63: {  	_ =	shalt  }
0x64: {  	_ =	shalt  }
0x65: {  	_ =	shalt  }
0x66: {  	_ =	shalt  }
0x67: {  	_ =	shalt  }
0x68: {  	_ =	shalt  }
0x69: {  	_ =	shalt  }
0x6a: {  	_ =	shalt  }
0x6b: {  	_ =	shalt  }
0x6c: {  	_ =	shalt  }
0x6d: {  	_ =	shalt  }
0x6e: {  	_ =	shalt  }
0x6f: {  	_ =	shalt  }
0x70: {  	_ =	shalt  }
0x71: {  	_ =	shalt  }
0x72: {  	_ =	shalt  }
0x73: {  	_ =	shalt  }
0x74: {  	_ =	shalt  }
0x75: {  	_ =	shalt  }
0x76: {  	_ =	shalt  }
0x77: {  	_ =	shalt  }
0x78: {  	_ =	shalt  }
0x79: {  	_ =	shalt  }
0x7a: {  	_ =	shalt  }
0x7b: {  	_ =	shalt  }
0x7c: {  	_ =	shalt  }
0x7d: {  	_ =	shalt  }
0x7e: {  	_ =	shalt  }
0x7f: {  	_ =	shalt  }
0x80: {  	_ =	shalt  }
0x81: {  	_ =	shalt  }
0x82: {  	_ =	shalt  }
0x83: {  	_ =	shalt  }
0x84: {  	_ =	shalt  }
0x85: {  	_ =	shalt  }
0x86: {  	_ =	shalt  }
0x87: {  	_ =	shalt  }
.Lfunc_end0:
.L_simem_size_0:
called_computation_lowered:
.L_overlay_start_0:
0x88: {  	s2 =	sld [smem:$0x3FD9]  }
0x89: {  	s3 =	sld [smem:$0x3FFE];
	_ =	sdelay $0x1  }
0x8a: {  	s1 =	srdreg.scid  }
0x8b: {  	s0 =	sand.u32 $0x1, s1  }
0x8c: {  	s14 =	sshll.u32 s0, $0xA;
	s2 =	sadd.s32 s3, s2  }
0x8d: {  	s2 =	sadd.s32 s2, s14  }
0x8e: {  	[smem:$0x3FC5] =	sst s2  }
0x8f: {  	_ = 	snop  }
0x90: {  	s2 =	sld [smem:$0x3FD0];
	_ =	sdelay $0x2  }
0x91: {  	s15 =	simm.s32 $0xA;
	s4 =	simm.s32 $0x10  }
0x92: {  	[smem:s4], [sflag:s15] =	dma.local [hbm:s2], $0x1  }
0x93: {  	_ =	swait.eq [sflag:s15], $0x1  }
0x94: {  	[sflag:s15] =	ssyncset.done $0x0  }
0x95: {  	[sflag:s15] =	ssyncadd.s32 $0xFFFFFFFF  }
0x96: {  	s16 =	sld [smem:$0x11];
	(tm) =	ssettm $0x1  }
0x97: {  	s17 =	sld [smem:$0x3FFB];
	_ =	sdelay $0x3  }
0x98: {  	_ =	strace s17  }
0x99: {  	s3 =	sld [smem:$0x3FFC];
	_ =	sdelay $0x3  }
0x9a: {  	_ =	strace s3  }
0x9b: {  	s3 =	sld [smem:$0x3FFD];
	_ =	sdelay $0x3  }
0x9c: {  	_ =	strace s3  }
0x9d: {  	_ =	strace $0x8FFFFFFF  }
0x9e: {  	s18 =	sld [smem:$0x3FDB];
	_ =	sdelay $0x1  }
0x9f: {  	s19 =	simm.s32 $_scs_section_size  }
0xa0: {  	s5 =	simm.s32 $_size__tile_overlayer_lowered;
	s6 =	simm.s32 $_tile_overlayer_lowered  }
0xa1: {  	s22 =	simm.s32 $0x1BFF;
	s21 =	sshll.u32 s6, $0x1;
	s3 =	sadd.s32 s19, s18  }
0xa2: {  	s7 =	simm.s32 $0x0;
	s20 =	sshll.u32 s5, $0x1;
	s5 =	sadd.s32 s21, s3  }
0xa3: {  	[timem:s7], [sflag:s22] =	dma.local [hbm:s5], s20  }
0xa4: {  	_ =	swait.ge [sflag:s22], s20  }
0xa5: {  	s4 =	ssub.s32 $0x0, s20;
	[sflag:s22] =	ssyncset.done $0x0  }
0xa6: {  	[sflag:s22] =	ssyncadd.s32 s4;
	_ =	sdelay $0x1  }
0xa7: {  	s23 =	simm.s32 $0x1B8B  }
0xa8: {  	_ =	swait.ge [sflag:s23], $0x1  }
0xa9: {  	[sflag:s23] =	ssyncset.done $0x0  }
0xaa: {  	s25 =	simm.s32 $0x1B8E;
	s24 =	sld [smem:$0x3FFE];
	[sflag:s23] =	ssyncadd.s32 $0xFFFFFFFF  }
0xab: {  	s26 =	simm.s32 $execute0_lowered;
	[smem:$0x3FD2] =	sst s25  }
0xac: {  	s5 =	sshll.u32 s26, $0x1;
	_ =	strace $0x80000046;
	[dreg:$0x1] =	wrdreg $0xFFFFFFFF  }
0xad: {  	s28 =	simm.s32 $_size_execute0_lowered;
	s3 =	sadd.s32 s3, s5;
	[dreg:$0x0] =	wrdreg $0x0  }
0xae: {  	s5 =	sshll.u32 s28, $0x1;
	[dreg:$0x2] =	wrdreg s3  }
0xaf: {  	[dreg:$0x3] =	wrdreg s5  }
0xb0: {  	[dreg:$0x4] =	wrdreg $0xC0  }
0xb1: {  	_ =	task [dreg:s7], $0x5FFFF  }
0xb2: {  	[dreg:$0x1] =	wrdreg $0xFFFFFFFF  }
0xb3: {  	[dreg:$0x0] =	wrdreg $0x60  }
0xb4: {  	[dreg:$0x2] =	wrdreg s24  }
0xb5: {  	[dreg:$0x3] =	wrdreg s16  }
0xb6: {  	[dreg:$0x4] =	wrdreg $0x9  }
0xb7: {  	_ =	task.clear_ibuf [dreg:s7], $0x5FFFF;
	_ =	strace $0x90000046  }
0xb8: {  	s29 =	simm.s32 $0x9;
	_ =	strace $0x80000048  }
0xb9: {  	_ =	swait.ge [sflag:s29], $0x1  }
0xba: {  	[sflag:s29] =	ssyncadd.s32 $0xFFFFFFFF  }
0xbb: {  	_ =	strace $0x90000048  }
0xbc: {  	_ =	sfence  }
0xbd: {  	s30 =	sld [smem:$0x0];
	_ =	sdelay $0x2  }
0xbe: {  	s31 =	sshll.u32 s1, $0xD;
	s1 =	sshrl.u32 s1, $0x2  }
0xbf: {  	s3 =	sand.u32 $0x4000, s31;
	s1 =	sadd.s32 s1, s30  }
0xc0: {  	s0 =	sor.u32 s3, s0;
	s1 =	sshll.u32 s1, $0x11  }
0xc1: {  	s0 =	sor.u32 s1, s0  }
0xc2: {  	s0 =	sadd.s32 $0x8F2B, s0  }
0xc3: {  	[sflag:s0] =	ssyncadd.remote.s32 $0x1  }
0xc4: {  	_ =	sfence.sel $0xFFFF  }
0xc5: {  	[dreg:$0x0] =	wrdreg $0xFFFFFFFF;
	(pc) =	sbr.abs _section_cstart, $3  }
0xc6: {  	[dreg:$0x1] =	wrdreg $0xFFFFFFFF  }
0xc7: {  	_ =	task.clear_ibuf [dreg:s7], $0x2FFFF;
	_ =	strace $0x9FFFFFFF  }
0xc8: {  	(tm) =	ssettm $0x7FFFFFFF  }
0xc9: {  	_ =	shalt  }
tec
execute0_lowered:
.L_overlay_start_1:
0x0: {  	(tag) =	ssettag $0x1  }
0x1: {  	s0 =	srdreg.scid  }
0x2: {  	s2 =	stileid.u32;
	s0 =	sand.u32 $0x1, s0  }
0x3: {  	s1 =	rddreg [dreg:$0x0];
	s2 =	sshll.u32 s2, $0x8;
	s3 =	sshll.u32 s0, $0x7  }
0x4: {  	s4 =	rddreg [dreg:$0x1];
	s3 =	sor.u32 s3, s2;
	s2 =	simm.s32 $0x0  }
0x5: {  	s18 =	simm.s32 $0x8880;
	[smem:$0x7FF] =	sst s2  }
0x6: {  	s19 =	simm.s32 $0x9080;
	_ =	strace $0x80000047;
	[dreg:$0x7] =	wrdreg s18  }
0x7: {  	s20 =	simm.s32 $0x9880;
	[dreg:$0x8] =	wrdreg s19  }
0x8: {  	s21 =	simm.s32 $0xA080;
	[dreg:$0x9] =	wrdreg s20  }
0x9: {  	s22 =	simm.s32 $0xA880;
	[dreg:$0xa] =	wrdreg s21  }
0xa: {  	s23 =	simm.s32 $0xB080;
	[dreg:$0xb] =	wrdreg s22  }
0xb: {  	s24 =	simm.s32 $0xB880;
	[dreg:$0xc] =	wrdreg s23  }
0xc: {  	s25 =	simm.s32 $0xC080;
	s26 =	simm.s32 $0xC880;
	[dreg:$0xd] =	wrdreg s24  }
0xd: {  	s7 =	simm.s32 $0xD880;
	s8 =	simm.s32 $0xE080;
	[dreg:$0xe] =	wrdreg s25  }
0xe: {  	s9 =	simm.s32 $0xE880;
	s10 =	simm.s32 $0xF080;
	[dreg:$0xf] =	wrdreg s26  }
0xf: {  	s11 =	simm.s32 $0xF880;
	s12 =	simm.s32 $0x10880;
	[dreg:$0x11] =	wrdreg s7  }
0x10: {  	s13 =	simm.s32 $0x11080;
	s14 =	simm.s32 $0x11880;
	[dreg:$0x12] =	wrdreg s8  }
0x11: {  	s15 =	simm.s32 $0x12080;
	s28 =	simm.s32 $0x1;
	[dreg:$0x13] =	wrdreg s9  }
0x12: {  	s31 =	simm.s32 $0x4;
	s29 =	simm.s32 $0x7880;
	[dreg:$0x14] =	wrdreg s10  }
0x13: {  	s30 =	simm.s32 $0x10080;
	s0 =	ssub.s32 $0x2, s0;
	[dreg:$0x15] =	wrdreg s11  }
0x14: {  	s6 =	sshrl.u32 s0, $0x1;
	s5 =	sshrl.u32 s3, $0x3;
	[dreg:$0x16] =	wrdreg s12  }
0x15: {  	s3 =	sshll.u32 s3, $0x7;
	s0 =	ssub.s32 s0, s6;
	[dreg:$0x17] =	wrdreg s13  }
0x16: {  	s6 =	sadd.s32 $0x1400, s1;
	s5 =	sadd.s32 s5, s1;
	[dreg:$0x18] =	wrdreg s14  }
0x17: {  	s4 =	sadd.s32 s4, s3;
	s7 =	sadd.s32 $0x1500, s1;
	[dreg:$0x19] =	wrdreg s15  }
0x18: {  	s8 =	smax.u32 s0, $0x1;
	s18 =	simm.s32 $0x13880;
	[smem:$0x7F8] =	sst s4  }
0x19: {  	s10 =	simm.s32 $0x80;
	s19 =	simm.s32 $0x14080;
	[dreg:$0x1c] =	wrdreg s18  }
0x1a: {  	s20 =	simm.s32 $0x14880;
	s21 =	simm.s32 $0x15080;
	[dreg:$0x1d] =	wrdreg s19  }
0x1b: {  	s22 =	simm.s32 $0x15880;
	s23 =	simm.s32 $0x16080;
	[dreg:$0x1e] =	wrdreg s20  }
0x1c: {  	s24 =	simm.s32 $0x16880;
	s25 =	simm.s32 $0x17080;
	[dreg:$0x1f] =	wrdreg s21  }
0x1d: {  	s26 =	simm.s32 $0x17880;
	s0 =	simm.s32 $0x5;
	[smem:$0x7F9] =	sst s22  }
0x1e: {  	s13 =	simm.s32 $0x880;
	s14 =	simm.s32 $0x1080;
	[smem:$0x7FA] =	sst s23  }
0x1f: {  	s15 =	simm.s32 $0x1880;
	s5 =	sadd.s32 $0x9200, s5;
	[smem:$0x7FB] =	sst s24  }
0x20: {  	s3 =	sadd.s32 $0x1000, s4;
	s16 =	sadd.s32 $0x2000, s4;
	[smem:$0x7FC] =	sst s25  }
0x21: {  	s17 =	sadd.s32 $0x3000, s4;
	s4 =	sadd.s32 $0x1200, s1;
	[smem:$0x7FD] =	sst s26  }
0x22: {  	s18 =	simm.s32 $0x3080;
	s19 =	simm.s32 $0x3880;
	[dreg:$0x3] =	wrdreg s5  }
0x23: {  	s20 =	simm.s32 $0x4080;
	s21 =	simm.s32 $0x4880;
	[dreg:$0x4] =	wrdreg s3  }
0x24: {  	s22 =	simm.s32 $0x5080;
	s23 =	simm.s32 $0x5880;
	[dreg:$0x5] =	wrdreg s16  }
0x25: {  	s24 =	simm.s32 $0x6080;
	[dreg:$0x6] =	wrdreg s17;
	s5 =	simm.s32 $0xD080  }
0x26: {  	s25 =	simm.s32 $0x6880;
	s16 =	simm.s32 $0x12880;
	[dreg:$0x10] =	wrdreg s5  }
0x27: {  	v2 =	vlaneseq.u32;
	s26 =	simm.s32 $0x7080;
	s17 =	simm.s32 $0x13080;
	[dreg:$0x1a] =	wrdreg s16  }
0x28: {  	vm0 =	vmmov $0xffff;
	v1 =	vshrl.u32 v2, $0x3;
	s3 =	simm.s32 $0x6;
	s5 =	sadd.s32 $0x1300, s1;
	[dreg:$0x1b] =	wrdreg s17  }
0x29: {  	v0 =	vand.u32 $0x7, v2;
	v2 =	vor.u32 $0x8, v2;
	v1 =	vmul.u32 $0x8, v1;
	s1 =	simm.s32 $0x3;
	s16 =	simm.s32 $0x2080;
	s17 =	simm.s32 $0x2880  }
.LBB2_1:
0x2a: {  	s11 =	rddreg [dreg:$0x3];
	s9 =	simm.s32 $0x7  }
0x2b: {  	[tilespmem:s2], [sflag:$0x7] =	stream.linear.gather [hbm4b:s11+s2], $0x80, $0x38;
	[tilespmem:$0x18080] =	vst v63  }
0x2c: {  	_ =	swait.ge [sflag:s9], $0x80  }
0x2d: {  	[sflag:s9] =	ssyncset.done $0x0  }
0x2e: {  	[sflag:s9] =	ssyncadd.s32 $0xFFFFFF80  }
0x2f: {  	v3 =	vld [tilespmem:$0x0];
	_ =	sdelay $0x4  }
0x30: {  	v4 =	vshll.u32 v3, $0x3  }
0x31: {  	v3 =	vand.u32 $0x7, v3;
	v4 =	vand.u32 $0xFFFFFFC0, v4  }
0x32: {  	v3 =	vor.u32 v3, v4  }
0x33: {  	v4 =	vperm.xlane v3, v0;
	_ =	sdelay $0x1  }
0x34: {  	v4 =	vadd.s32 v1, v4;
	_ =	sdelay $0x4  }
0x35: {  	[tilespmem:s10], [sflag:$0x1] =	stream.indirect_vreg.gather [hbm4b:s4+s2], $0x80, v4, vm0, $0xb8;
	[tilespmem:$0x18080] =	vst v63  }
0x36: {  	v3 =	vperm.xlane v3, v2  }
0x37: {  	[tilespmem:s13], [sflag:$0x1] =	stream.indirect_vreg.gather [hbm4b:s5+s2], $0x80, v4, vm0, $0xb8;
	[tilespmem:$0x18080] =	vst v63  }
0x38: {  	v3 =	vadd.s32 v1, v3  }
0x39: {  	[tilespmem:s14], [sflag:$0x1] =	stream.indirect_vreg.gather [hbm4b:s6+s2], $0x80, v4, vm0, $0xb8;
	[tilespmem:$0x18080] =	vst v63  }
0x3a: {  	_ = 	snop  }
0x3b: {  	[tilespmem:s15], [sflag:$0x1] =	stream.indirect_vreg.gather [hbm4b:s7+s2], $0x80, v4, vm0, $0xb8;
	[tilespmem:$0x18080] =	vst v63  }
0x3c: {  	_ = 	snop  }
0x3d: {  	[tilespmem:s16], [sflag:$0x1] =	stream.indirect_vreg.gather [hbm4b:s4+s2], $0x80, v3, vm0, $0xb8;
	[tilespmem:$0x18080] =	vst v63  }
0x3e: {  	_ = 	snop  }
0x3f: {  	[tilespmem:s17], [sflag:$0x1] =	stream.indirect_vreg.gather [hbm4b:s5+s2], $0x80, v3, vm0, $0xb8;
	[tilespmem:$0x18080] =	vst v63  }
0x40: {  	_ = 	snop  }
0x41: {  	[tilespmem:s18], [sflag:$0x1] =	stream.indirect_vreg.gather [hbm4b:s6+s2], $0x80, v3, vm0, $0xb8;
	[tilespmem:$0x18080] =	vst v63  }
0x42: {  	_ = 	snop  }
0x43: {  	[tilespmem:s19], [sflag:$0x1] =	stream.indirect_vreg.gather [hbm4b:s7+s2], $0x80, v3, vm0, $0xb8;
	[tilespmem:$0x18080] =	vst v63  }
0x44: {  	v3 =	vld [tilespmem:$0x10];
	_ =	sdelay $0x4  }
0x45: {  	v57 =	vshll.u32 v3, $0x3  }
0x46: {  	v3 =	vand.u32 $0x7, v3;
	v4 =	vand.u32 $0xFFFFFFC0, v57  }
0x47: {  	v3 =	vor.u32 v3, v4  }
0x48: {  	v4 =	vperm.xlane v3, v0;
	_ =	sdelay $0x1  }
0x49: {  	v4 =	vadd.s32 v1, v4;
	_ =	sdelay $0x4  }
0x4a: {  	[tilespmem:s20], [sflag:$0x1] =	stream.indirect_vreg.gather [hbm4b:s4+s2], $0x80, v4, vm0, $0xb8;
	[tilespmem:$0x18080] =	vst v63  }
0x4b: {  	v3 =	vperm.xlane v3, v2  }
0x4c: {  	[tilespmem:s21], [sflag:$0x1] =	stream.indirect_vreg.gather [hbm4b:s5+s2], $0x80, v4, vm0, $0xb8;
	[tilespmem:$0x18080] =	vst v63  }
0x4d: {  	v3 =	vadd.s32 v1, v3  }
0x4e: {  	[tilespmem:s22], [sflag:$0x1] =	stream.indirect_vreg.gather [hbm4b:s6+s2], $0x80, v4, vm0, $0xb8;
	[tilespmem:$0x18080] =	vst v63  }
0x4f: {  	_ = 	snop  }
0x50: {  	[tilespmem:s23], [sflag:$0x1] =	stream.indirect_vreg.gather [hbm4b:s7+s2], $0x80, v4, vm0, $0xb8;
	[tilespmem:$0x18080] =	vst v63  }
0x51: {  	_ = 	snop  }
0x52: {  	[tilespmem:s24], [sflag:$0x1] =	stream.indirect_vreg.gather [hbm4b:s4+s2], $0x80, v3, vm0, $0xb8;
	[tilespmem:$0x18080] =	vst v63  }
0x53: {  	_ = 	snop  }
0x54: {  	[tilespmem:s25], [sflag:$0x1] =	stream.indirect_vreg.gather [hbm4b:s5+s2], $0x80, v3, vm0, $0xb8;
	[tilespmem:$0x18080] =	vst v63  }
0x55: {  	_ = 	snop  }
0x56: {  	[tilespmem:s26], [sflag:$0x1] =	stream.indirect_vreg.gather [hbm4b:s6+s2], $0x80, v3, vm0, $0xb8;
	[tilespmem:$0x18080] =	vst v63  }
0x57: {  	_ = 	snop  }
0x58: {  	[tilespmem:s29], [sflag:$0x1] =	stream.indirect_vreg.gather [hbm4b:s7+s2], $0x80, v3, vm0, $0xb8;
	[tilespmem:$0x18080] =	vst v63  }
0x59: {  	v3 =	vld [tilespmem:$0x20];
	_ =	sdelay $0x4  }
0x5a: {  	v58 =	vshll.u32 v3, $0x3  }
0x5b: {  	v3 =	vand.u32 $0x7, v3;
	v4 =	vand.u32 $0xFFFFFFC0, v58  }
0x5c: {  	v3 =	vor.u32 v3, v4  }
0x5d: {  	v4 =	vperm.xlane v3, v0;
	_ =	sdelay $0x1  }
0x5e: {  	v4 =	vadd.s32 v1, v4;
	_ =	sdelay $0x3  }
0x5f: {  	s9 =	simm.s32 $0x8080  }
0x60: {  	[tilespmem:s9], [sflag:$0x2] =	stream.indirect_vreg.gather [hbm4b:s4+s2], $0x80, v4, vm0, $0xb8;
	[tilespmem:$0x18080] =	vst v63  }
0x61: {  	s11 =	rddreg [dreg:$0x7];
	v3 =	vperm.xlane v3, v2  }
0x62: {  	[tilespmem:s11], [sflag:$0x2] =	stream.indirect_vreg.gather [hbm4b:s5+s2], $0x80, v4, vm0, $0xb8;
	[tilespmem:$0x18080] =	vst v63  }
0x63: {  	s12 =	rddreg [dreg:$0x8];
	v3 =	vadd.s32 v1, v3  }
0x64: {  	[tilespmem:s12], [sflag:$0x2] =	stream.indirect_vreg.gather [hbm4b:s6+s2], $0x80, v4, vm0, $0xb8;
	[tilespmem:$0x18080] =	vst v63  }
0x65: {  	s11 =	rddreg [dreg:$0x9]  }
0x66: {  	[tilespmem:s11], [sflag:$0x2] =	stream.indirect_vreg.gather [hbm4b:s7+s2], $0x80, v4, vm0, $0xb8;
	[tilespmem:$0x18080] =	vst v63  }
0x67: {  	s12 =	rddreg [dreg:$0xa]  }
0x68: {  	[tilespmem:s12], [sflag:$0x2] =	stream.indirect_vreg.gather [hbm4b:s4+s2], $0x80, v3, vm0, $0xb8;
	[tilespmem:$0x18080] =	vst v63  }
0x69: {  	s11 =	rddreg [dreg:$0xb]  }
0x6a: {  	[tilespmem:s11], [sflag:$0x2] =	stream.indirect_vreg.gather [hbm4b:s5+s2], $0x80, v3, vm0, $0xb8;
	[tilespmem:$0x18080] =	vst v63  }
0x6b: {  	s12 =	rddreg [dreg:$0xc]  }
0x6c: {  	[tilespmem:s12], [sflag:$0x2] =	stream.indirect_vreg.gather [hbm4b:s6+s2], $0x80, v3, vm0, $0xb8;
	[tilespmem:$0x18080] =	vst v63  }
0x6d: {  	s11 =	rddreg [dreg:$0xd]  }
0x6e: {  	[tilespmem:s11], [sflag:$0x2] =	stream.indirect_vreg.gather [hbm4b:s7+s2], $0x80, v3, vm0, $0xb8;
	[tilespmem:$0x18080] =	vst v63  }
0x6f: {  	v3 =	vld [tilespmem:$0x30];
	_ =	sdelay $0x4  }
0x70: {  	v59 =	vshll.u32 v3, $0x3  }
0x71: {  	v3 =	vand.u32 $0x7, v3;
	v4 =	vand.u32 $0xFFFFFFC0, v59  }
0x72: {  	v3 =	vor.u32 v3, v4  }
0x73: {  	v4 =	vperm.xlane v3, v0;
	_ =	sdelay $0x1  }
0x74: {  	v4 =	vadd.s32 v1, v4;
	_ =	sdelay $0x3  }
0x75: {  	s11 =	rddreg [dreg:$0xe]  }
0x76: {  	[tilespmem:s11], [sflag:$0x2] =	stream.indirect_vreg.gather [hbm4b:s4+s2], $0x80, v4, vm0, $0xb8;
	[tilespmem:$0x18080] =	vst v63  }
0x77: {  	s12 =	rddreg [dreg:$0xf];
	v3 =	vperm.xlane v3, v2  }
0x78: {  	[tilespmem:s12], [sflag:$0x2] =	stream.indirect_vreg.gather [hbm4b:s5+s2], $0x80, v4, vm0, $0xb8;
	[tilespmem:$0x18080] =	vst v63  }
0x79: {  	v3 =	vadd.s32 v1, v3;
	s11 =	rddreg [dreg:$0x10]  }
0x7a: {  	[tilespmem:s11], [sflag:$0x2] =	stream.indirect_vreg.gather [hbm4b:s6+s2], $0x80, v4, vm0, $0xb8;
	[tilespmem:$0x18080] =	vst v63  }
0x7b: {  	s12 =	rddreg [dreg:$0x11]  }
0x7c: {  	[tilespmem:s12], [sflag:$0x2] =	stream.indirect_vreg.gather [hbm4b:s7+s2], $0x80, v4, vm0, $0xb8;
	[tilespmem:$0x18080] =	vst v63  }
0x7d: {  	s11 =	rddreg [dreg:$0x12]  }
0x7e: {  	[tilespmem:s11], [sflag:$0x2] =	stream.indirect_vreg.gather [hbm4b:s4+s2], $0x80, v3, vm0, $0xb8;
	[tilespmem:$0x18080] =	vst v63  }
0x7f: {  	s12 =	rddreg [dreg:$0x13]  }
0x80: {  	[tilespmem:s12], [sflag:$0x2] =	stream.indirect_vreg.gather [hbm4b:s5+s2], $0x80, v3, vm0, $0xb8;
	[tilespmem:$0x18080] =	vst v63  }
0x81: {  	s11 =	rddreg [dreg:$0x14]  }
0x82: {  	[tilespmem:s11], [sflag:$0x2] =	stream.indirect_vreg.gather [hbm4b:s6+s2], $0x80, v3, vm0, $0xb8;
	[tilespmem:$0x18080] =	vst v63  }
0x83: {  	s12 =	rddreg [dreg:$0x15]  }
0x84: {  	[tilespmem:s12], [sflag:$0x2] =	stream.indirect_vreg.gather [hbm4b:s7+s2], $0x80, v3, vm0, $0xb8;
	[tilespmem:$0x18080] =	vst v63  }
0x85: {  	_ =	swait.ge [sflag:s28], $0x8000  }
0x86: {  	s12 =	sld [smem:$0x7F8]  }
0x87: {  	[sflag:s28] =	ssyncset.done $0x0  }
0x88: {  	[sflag:s28] =	ssyncadd.s32 $0xFFFF8000  }
0x89: {  	[hbm4b:s12+s2] =	stream.linear.scatter [tilespmem:s10], [sflag:$0x4], $0x8000, $0x38;
	[tilespmem:$0x18080] =	vst v63  }
0x8a: {  	v3 =	vld [tilespmem:$0x40];
	_ =	sdelay $0x4  }
0x8b: {  	v60 =	vshll.u32 v3, $0x3  }
0x8c: {  	v3 =	vand.u32 $0x7, v3;
	v4 =	vand.u32 $0xFFFFFFC0, v60  }
0x8d: {  	v3 =	vor.u32 v3, v4  }
0x8e: {  	v4 =	vperm.xlane v3, v0;
	_ =	sdelay $0x1  }
0x8f: {  	v4 =	vadd.s32 v1, v4;
	_ =	sdelay $0x4  }
0x90: {  	[tilespmem:s30], [sflag:$0x3] =	stream.indirect_vreg.gather [hbm4b:s4+s2], $0x80, v4, vm0, $0xb8;
	[tilespmem:$0x18080] =	vst v63  }
0x91: {  	s11 =	rddreg [dreg:$0x16];
	v3 =	vperm.xlane v3, v2  }
0x92: {  	[tilespmem:s11], [sflag:$0x3] =	stream.indirect_vreg.gather [hbm4b:s5+s2], $0x80, v4, vm0, $0xb8;
	[tilespmem:$0x18080] =	vst v63  }
0x93: {  	s12 =	rddreg [dreg:$0x17];
	v3 =	vadd.s32 v1, v3  }
0x94: {  	[tilespmem:s12], [sflag:$0x3] =	stream.indirect_vreg.gather [hbm4b:s6+s2], $0x80, v4, vm0, $0xb8;
	[tilespmem:$0x18080] =	vst v63  }
0x95: {  	s11 =	rddreg [dreg:$0x18]  }
0x96: {  	[tilespmem:s11], [sflag:$0x3] =	stream.indirect_vreg.gather [hbm4b:s7+s2], $0x80, v4, vm0, $0xb8;
	[tilespmem:$0x18080] =	vst v63  }
0x97: {  	s12 =	rddreg [dreg:$0x19]  }
0x98: {  	[tilespmem:s12], [sflag:$0x3] =	stream.indirect_vreg.gather [hbm4b:s4+s2], $0x80, v3, vm0, $0xb8;
	[tilespmem:$0x18080] =	vst v63  }
0x99: {  	s11 =	rddreg [dreg:$0x1a]  }
0x9a: {  	[tilespmem:s11], [sflag:$0x3] =	stream.indirect_vreg.gather [hbm4b:s5+s2], $0x80, v3, vm0, $0xb8;
	[tilespmem:$0x18080] =	vst v63  }
0x9b: {  	s12 =	rddreg [dreg:$0x1b]  }
0x9c: {  	[tilespmem:s12], [sflag:$0x3] =	stream.indirect_vreg.gather [hbm4b:s6+s2], $0x80, v3, vm0, $0xb8;
	[tilespmem:$0x18080] =	vst v63  }
0x9d: {  	s11 =	rddreg [dreg:$0x1c]  }
0x9e: {  	[tilespmem:s11], [sflag:$0x3] =	stream.indirect_vreg.gather [hbm4b:s7+s2], $0x80, v3, vm0, $0xb8;
	[tilespmem:$0x18080] =	vst v63  }
0x9f: {  	v3 =	vld [tilespmem:$0x50];
	_ =	sdelay $0x4  }
0xa0: {  	v61 =	vshll.u32 v3, $0x3  }
0xa1: {  	v3 =	vand.u32 $0x7, v3;
	v4 =	vand.u32 $0xFFFFFFC0, v61  }
0xa2: {  	v3 =	vor.u32 v3, v4  }
0xa3: {  	v4 =	vperm.xlane v3, v0;
	_ =	sdelay $0x1  }
0xa4: {  	v4 =	vadd.s32 v1, v4;
	_ =	sdelay $0x2  }
0xa5: {  	s12 =	rddreg [dreg:$0x1e]  }
0xa6: {  	s11 =	rddreg [dreg:$0x1d]  }
0xa7: {  	[tilespmem:s11], [sflag:$0x3] =	stream.indirect_vreg.gather [hbm4b:s4+s2], $0x80, v4, vm0, $0xb8;
	[tilespmem:$0x18080] =	vst v63  }
0xa8: {  	v3 =	vperm.xlane v3, v2;
	s11 =	rddreg [dreg:$0x1f]  }
0xa9: {  	[tilespmem:s12], [sflag:$0x3] =	stream.indirect_vreg.gather [hbm4b:s5+s2], $0x80, v4, vm0, $0xb8;
	[tilespmem:$0x18080] =	vst v63  }
0xaa: {  	v3 =	vadd.s32 v1, v3;
	s12 =	sld [smem:$0x7F9]  }
0xab: {  	[tilespmem:s11], [sflag:$0x3] =	stream.indirect_vreg.gather [hbm4b:s6+s2], $0x80, v4, vm0, $0xb8;
	[tilespmem:$0x18080] =	vst v63  }
0xac: {  	s11 =	sld [smem:$0x7FA]  }
0xad: {  	[tilespmem:s12], [sflag:$0x3] =	stream.indirect_vreg.gather [hbm4b:s7+s2], $0x80, v4, vm0, $0xb8;
	[tilespmem:$0x18080] =	vst v63  }
0xae: {  	s12 =	sld [smem:$0x7FB]  }
0xaf: {  	[tilespmem:s11], [sflag:$0x3] =	stream.indirect_vreg.gather [hbm4b:s4+s2], $0x80, v3, vm0, $0xb8;
	[tilespmem:$0x18080] =	vst v63  }
0xb0: {  	s11 =	sld [smem:$0x7FC]  }
0xb1: {  	[tilespmem:s12], [sflag:$0x3] =	stream.indirect_vreg.gather [hbm4b:s5+s2], $0x80, v3, vm0, $0xb8;
	[tilespmem:$0x18080] =	vst v63  }
0xb2: {  	s12 =	sld [smem:$0x7FD]  }
0xb3: {  	[tilespmem:s11], [sflag:$0x3] =	stream.indirect_vreg.gather [hbm4b:s6+s2], $0x80, v3, vm0, $0xb8;
	[tilespmem:$0x18080] =	vst v63  }
0xb4: {  	_ = 	snop  }
0xb5: {  	[tilespmem:s12], [sflag:$0x3] =	stream.indirect_vreg.gather [hbm4b:s7+s2], $0x80, v3, vm0, $0xb8;
	[tilespmem:$0x18080] =	vst v63  }
0xb6: {  	s12 =	simm.s32 $0x2  }
0xb7: {  	_ =	swait.ge [sflag:s12], $0x8000  }
0xb8: {  	[sflag:s12] =	ssyncset.done $0x0  }
0xb9: {  	s11 =	rddreg [dreg:$0x4];
	[sflag:s12] =	ssyncadd.s32 $0xFFFF8000  }
0xba: {  	[hbm4b:s11+s2] =	stream.linear.scatter [tilespmem:s9], [sflag:$0x5], $0x8000, $0x38;
	[tilespmem:$0x18080] =	vst v63  }
0xbb: {  	_ =	swait.ge [sflag:s31], $0x8000  }
0xbc: {  	[sflag:s31] =	ssyncset.done $0x0  }
0xbd: {  	[sflag:s31] =	ssyncadd.s32 $0xFFFF8000  }
0xbe: {  	v3 =	vld [tilespmem:$0x60];
	_ =	sdelay $0x4  }
0xbf: {  	v62 =	vshll.u32 v3, $0x3  }
0xc0: {  	v3 =	vand.u32 $0x7, v3;
	v4 =	vand.u32 $0xFFFFFFC0, v62  }
0xc1: {  	v3 =	vor.u32 v3, v4  }
0xc2: {  	v4 =	vperm.xlane v3, v0;
	_ =	sdelay $0x1  }
0xc3: {  	v4 =	vadd.s32 v1, v4;
	_ =	sdelay $0x4  }
0xc4: {  	[tilespmem:s10], [sflag:$0x1] =	stream.indirect_vreg.gather [hbm4b:s4+s2], $0x80, v4, vm0, $0xb8;
	[tilespmem:$0x18080] =	vst v63  }
0xc5: {  	v3 =	vperm.xlane v3, v2  }
0xc6: {  	[tilespmem:s13], [sflag:$0x1] =	stream.indirect_vreg.gather [hbm4b:s5+s2], $0x80, v4, vm0, $0xb8;
	[tilespmem:$0x18080] =	vst v63  }
0xc7: {  	v3 =	vadd.s32 v1, v3  }
0xc8: {  	[tilespmem:s14], [sflag:$0x1] =	stream.indirect_vreg.gather [hbm4b:s6+s2], $0x80, v4, vm0, $0xb8;
	[tilespmem:$0x18080] =	vst v63  }
0xc9: {  	_ = 	snop  }
0xca: {  	[tilespmem:s15], [sflag:$0x1] =	stream.indirect_vreg.gather [hbm4b:s7+s2], $0x80, v4, vm0, $0xb8;
	[tilespmem:$0x18080] =	vst v63  }
0xcb: {  	_ = 	snop  }
0xcc: {  	[tilespmem:s16], [sflag:$0x1] =	stream.indirect_vreg.gather [hbm4b:s4+s2], $0x80, v3, vm0, $0xb8;
	[tilespmem:$0x18080] =	vst v63  }
0xcd: {  	_ = 	snop  }
0xce: {  	[tilespmem:s17], [sflag:$0x1] =	stream.indirect_vreg.gather [hbm4b:s5+s2], $0x80, v3, vm0, $0xb8;
	[tilespmem:$0x18080] =	vst v63  }
0xcf: {  	_ = 	snop  }
0xd0: {  	[tilespmem:s18], [sflag:$0x1] =	stream.indirect_vreg.gather [hbm4b:s6+s2], $0x80, v3, vm0, $0xb8;
	[tilespmem:$0x18080] =	vst v63  }
0xd1: {  	_ = 	snop  }
0xd2: {  	[tilespmem:s19], [sflag:$0x1] =	stream.indirect_vreg.gather [hbm4b:s7+s2], $0x80, v3, vm0, $0xb8;
	[tilespmem:$0x18080] =	vst v63  }
0xd3: {  	v3 =	vld [tilespmem:$0x70];
	_ =	sdelay $0x4  }
0xd4: {  	v63 =	vshll.u32 v3, $0x3  }
0xd5: {  	v3 =	vand.u32 $0x7, v3;
	v4 =	vand.u32 $0xFFFFFFC0, v63  }
0xd6: {  	v3 =	vor.u32 v3, v4  }
0xd7: {  	v4 =	vperm.xlane v3, v0;
	_ =	sdelay $0x1  }
0xd8: {  	v4 =	vadd.s32 v1, v4;
	_ =	sdelay $0x4  }
0xd9: {  	[tilespmem:s20], [sflag:$0x1] =	stream.indirect_vreg.gather [hbm4b:s4+s2], $0x80, v4, vm0, $0xb8;
	[tilespmem:$0x18080] =	vst v63  }
0xda: {  	v3 =	vperm.xlane v3, v2  }
0xdb: {  	[tilespmem:s21], [sflag:$0x1] =	stream.indirect_vreg.gather [hbm4b:s5+s2], $0x80, v4, vm0, $0xb8;
	[tilespmem:$0x18080] =	vst v63  }
0xdc: {  	v3 =	vadd.s32 v1, v3  }
0xdd: {  	[tilespmem:s22], [sflag:$0x1] =	stream.indirect_vreg.gather [hbm4b:s6+s2], $0x80, v4, vm0, $0xb8;
	[tilespmem:$0x18080] =	vst v63  }
0xde: {  	_ = 	snop  }
0xdf: {  	[tilespmem:s23], [sflag:$0x1] =	stream.indirect_vreg.gather [hbm4b:s7+s2], $0x80, v4, vm0, $0xb8;
	[tilespmem:$0x18080] =	vst v63  }
0xe0: {  	_ = 	snop  }
0xe1: {  	[tilespmem:s24], [sflag:$0x1] =	stream.indirect_vreg.gather [hbm4b:s4+s2], $0x80, v3, vm0, $0xb8;
	[tilespmem:$0x18080] =	vst v63  }
0xe2: {  	_ = 	snop  }
0xe3: {  	[tilespmem:s25], [sflag:$0x1] =	stream.indirect_vreg.gather [hbm4b:s5+s2], $0x80, v3, vm0, $0xb8;
	[tilespmem:$0x18080] =	vst v63  }
0xe4: {  	_ = 	snop  }
0xe5: {  	[tilespmem:s26], [sflag:$0x1] =	stream.indirect_vreg.gather [hbm4b:s6+s2], $0x80, v3, vm0, $0xb8;
	[tilespmem:$0x18080] =	vst v63  }
0xe6: {  	_ = 	snop  }
0xe7: {  	[tilespmem:s29], [sflag:$0x1] =	stream.indirect_vreg.gather [hbm4b:s7+s2], $0x80, v3, vm0, $0xb8;
	[tilespmem:$0x18080] =	vst v63  }
0xe8: {  	_ =	swait.ge [sflag:s1], $0x8000  }
0xe9: {  	[sflag:s1] =	ssyncset.done $0x0  }
0xea: {  	s9 =	rddreg [dreg:$0x5];
	[sflag:s1] =	ssyncadd.s32 $0xFFFF8000  }
0xeb: {  	[hbm4b:s9+s2] =	stream.linear.scatter [tilespmem:s30], [sflag:$0x6], $0x8000, $0x38;
	[tilespmem:$0x18080] =	vst v63  }
0xec: {  	_ =	swait.ge [sflag:s28], $0x8000  }
0xed: {  	[sflag:s28] =	ssyncset.done $0x0  }
0xee: {  	s12 =	rddreg [dreg:$0x6];
	[sflag:s28] =	ssyncadd.s32 $0xFFFF8000  }
0xef: {  	[hbm4b:s12+s2] =	stream.linear.scatter [tilespmem:s10], [sflag:$0x4], $0x8000, $0x38;
	[tilespmem:$0x18080] =	vst v63  }
0xf0: {  	_ =	swait.ge [sflag:s31], $0x8000  }
0xf1: {  	[sflag:s31] =	ssyncset.done $0x0  }
0xf2: {  	[sflag:s31] =	ssyncadd.s32 $0xFFFF8000  }
0xf3: {  	p0 =	sne.s32 s8, $0x1;
	_ =	swait.ge [sflag:s0], $0x8000  }
.Ltmp0:
0xf4: {  	[sflag:s0] =	ssyncset.done $0x0;
	(pc) =	sbr.rel @p0 .LBB2_1-.Ltmp0, $4  }
0xf5: {  	[sflag:s0] =	ssyncadd.s32 $0xFFFF8000  }
0xf6: {  	_ =	swait.ge [sflag:s3], $0x8000  }
0xf7: {  	[sflag:s3] =	ssyncset.done $0x0  }
0xf8: {  	s8 =	sadd.s32 $0xFFFFFFFF, s8;
	[sflag:s3] =	ssyncadd.s32 $0xFFFF8000  }
0xf9: {  	_ =	sfence.sel $0x180000  }
0xfa: {  	[bflag:$0x0] =	sbarrier.arrive $0xFFFF  }
0xfb: {  	_ =	strace $0x90000047  }
0xfc: {  	s0 =	stileid.u32;
	[bflag:$0x2] =	sbarrier.arrive $0xFFFF  }
0xfd: {  	p0 =	sne.s32 s0, $0x0;
	s0 =	rddreg [dreg:$0x2]  }
0xfe: {  	s0 =	sadd.s32 @!p0 $0x100000, s0  }
0xff: {  	[sflag:s0] =	ssyncadd.tile.s32 @!p0 $0x1;
	_ =	shalt  }
.Lfunc_end2:
_tile_overlayer_lowered:
.L_overlay_start_2:
0x100: {  	(tag) =	ssettag $0x2  }
0x101: {  	s0 =	rddreg [dreg:$0x0];
	s2 =	stileid.u32  }
0x102: {  	s1 =	rddreg [dreg:$0x1];
	p0 =	sne.s32 s2, $0x0  }
0x103: {  	s3 =	rddreg [dreg:$0x2];
	[bflag:$0x3] =	sbarrier.arrive $0xFFFF;
	s2 =	simm.s32 @!p0 $0x1C07  }
0x104: {  	[timem:s3], [sflag:s2] =	dma.local @!p0 [hbm:s0], s1  }
0x105: {  	s0 =	simm.s32 @!p0 $0x7  }
0x106: {  	_ =	swait.ge @!p0 [sflag:s0], s1  }
0x107: {  	s1 =	ssub.s32 @!p0 $0x0, s1;
	[sflag:s0] =	ssyncset.done @!p0 $0x0  }
0x108: {  	[sflag:s0] =	ssyncadd.s32 @!p0 s1  }
0x109: {  	[bflag:$0x3] =	sbarrier.arrive $0xFFFF  }
0x10a: {  	_ =	shalt  }

</sc_bundles>
